<compile_context>
chip_gen: v7x
topology: tpu7x:2x2x1
jax: 0.10.2.dev20260603
libtpu: 0.0.44.dev20260713+nightly
codegen_flags: <defaults>
</compile_context>

<pallas_src>
import functools

import jax
import jax.numpy as jnp
from jax import lax
from jax.experimental import pallas as pl
from jax.experimental.pallas import tpu as pltpu
from jax.experimental.pallas import tpu_sc as plsc

D = 64
DP = 128
NC = 2
NS = 16
NW = NC * NS
CHUNK = 256
NBUF = 2


@functools.partial(jax.jit, static_argnames=("n",))
def _sc_gather(idx, tabp, n):
    b_per_w = n // NW
    nchunk = b_per_w // CHUNK
    ngroup = nchunk // NBUF
    mesh = plsc.VectorSubcoreMesh(core_axis_name="c", subcore_axis_name="s")

    scratch = ([pltpu.VMEM((CHUNK,), jnp.int32) for _ in range(NBUF)]
               + [pltpu.VMEM((CHUNK, DP), jnp.float32) for _ in range(NBUF)]
               + [pltpu.SemaphoreType.DMA((NBUF,)),
                  pltpu.SemaphoreType.DMA((NBUF,))])

    @functools.partial(
        pl.kernel,
        out_type=jax.ShapeDtypeStruct((n, DP), jnp.float32),
        mesh=mesh,
        scratch_types=scratch,
        compiler_params=pltpu.CompilerParams(use_tc_tiling_on_sc=False),
    )
    def k(idx_hbm, table_hbm, out_hbm, *rest):
        idx_v = rest[:NBUF]
        rows_v = rest[NBUF:2 * NBUF]
        gsem, wsem = rest[2 * NBUF], rest[2 * NBUF + 1]
        wid = lax.axis_index("s") * NC + lax.axis_index("c")
        base = wid * b_per_w

        def load_idx(g, b):
            pltpu.sync_copy(idx_hbm.at[pl.ds(base + g * CHUNK, CHUNK)],
                            idx_v[b])

        def start_gather(b):
            pltpu.async_copy(table_hbm.at[idx_v[b]], rows_v[b], gsem.at[b])

        def wait_gather(b):
            pltpu.make_async_copy(table_hbm.at[idx_v[b]], rows_v[b],
                                  gsem.at[b]).wait()

        def start_write(g, b):
            pltpu.async_copy(rows_v[b],
                             out_hbm.at[pl.ds(base + g * CHUNK, CHUNK)],
                             wsem.at[b])

        def wait_write(g, b):
            pltpu.make_async_copy(rows_v[b],
                                  out_hbm.at[pl.ds(base + g * CHUNK, CHUNK)],
                                  wsem.at[b]).wait()

        for b in range(NBUF):
            load_idx(b, b)
            start_gather(b)

        def body(p, carry):
            for b in range(NBUF):
                g = p * NBUF + b
                wait_gather(b)
                start_write(g, b)
                load_idx(g + NBUF, b)
                wait_write(g, b)
                start_gather(b)
            return carry

        lax.fori_loop(0, ngroup - 1, body, 0)

        g0 = (ngroup - 1) * NBUF
        for b in range(NBUF):
            wait_gather(b)
            start_write(g0 + b, b)
        for b in range(NBUF):
            wait_write(g0 + b, b)

    return k(idx, tabp)


def kernel(x, table):
    n = x.shape[0] * x.shape[1]
    idx = x.reshape(-1).astype(jnp.int32)
    tabp = jnp.pad(table, ((0, 0), (0, DP - D)))
    out = _sc_gather(idx, tabp, n)
    return out[:, :D].reshape(x.shape + (table.shape[1],))

# --- scband reference (transcript-rebuilt; emitter-appended) ---
"""Pipeline reference for scband-word-encoder-52261162057969 (READ-ONLY COPY).

The authoritative reference and input builder live on the scoring server;
editing this copy changes nothing except your own understanding.
"""

import jax, jax.numpy as jnp
import numpy as np

VOCAB = 1000000
EMBED_DIM = 64
BATCH = 4096
HIST = 200
PAD_IDX = 0


def setup_inputs(seed: int = 0) -> dict:
    key = jax.random.key(seed)
    k1, k2 = jax.random.split(key)
    x = jax.random.randint(k1, (BATCH, HIST), 0, VOCAB)
    table = jax.random.normal(k2, (VOCAB, EMBED_DIM), dtype=jnp.float32)
    # mimic nn.Embedding padding_idx row (typically zeros)
    table = table.at[PAD_IDX].set(0.0)
    return {"x": x, "table": table}


def reference(x, table):
    # nn.Embedding forward: row gather from the embedding table
    return jnp.take(table, x, axis=0)

if __name__ == "__main__":
    import jax
    _d = setup_inputs()
    print(jax.jit(kernel)(*tuple(_d.values())))

</pallas_src>

<mosaic_0001>
#map = affine_map<(d0, d1) -> (0)>
#map1 = affine_map<(d0, d1) -> (0, 0)>
module attributes {stable_mosaic.version = 14 : i64} {
  func.func @k(%arg0: i32, %arg1: i32, %arg2: memref<819200xi32, #tpu.memory_space<hbm>>, %arg3: memref<1000000x128xf32, #tpu.memory_space<hbm>>, %arg4: memref<819200x128xf32, #tpu.memory_space<hbm>>, %arg5: memref<256xi32, #tpu.memory_space<vmem>>, %arg6: memref<256xi32, #tpu.memory_space<vmem>>, %arg7: memref<256x128xf32, #tpu.memory_space<vmem>>, %arg8: memref<256x128xf32, #tpu.memory_space<vmem>>, %arg9: memref<2x!tpu.dma_semaphore, #tpu.memory_space<semaphore_mem>>, %arg10: memref<2x!tpu.dma_semaphore, #tpu.memory_space<semaphore_mem>>) attributes {dimension_semantics = [#tpu.dimension_semantics<core_parallel>, #tpu.dimension_semantics<subcore_parallel>], iteration_bounds = array<i64: 2, 16>, scalar_prefetch = 0 : i64, scratch_operands = 6 : i64, tpu.core_type = #tpu.core_type<sc_vector_subcore>, window_params = [{transform_indices = #map}, {transform_indices = #map1}, {transform_indices = #map1}]} {
    %mul3A = arith.constant 2 : i32
    %mul3A_0 = arith.muli %arg1, %mul3A : i32
    %add3A = arith.addi %mul3A_0, %arg0 : i32
    %mul3A_1 = arith.constant 25600 : i32
    %mul3A_2 = arith.muli %add3A, %mul3A_1 : i32
    %add3A_3 = arith.constant 0 : i32
    %add3A_4 = arith.addi %mul3A_2, %add3A_3 : i32
    "tpu.region"() ({
      %run_scoped3A = tpu.sem_alloc : memref<!tpu.dma_semaphore, #tpu.memory_space<semaphore_mem>>
      %dma_start3A_70 = tpu.memref_slice %arg2[%add3A_4] : memref<819200xi32, #tpu.memory_space<hbm>> -> memref<256xi32, #tpu.memory_space<hbm>>
      %dma_start3A_71 = tpu.memref_slice %arg2[%add3A_4] : memref<819200xi32, #tpu.memory_space<hbm>> -> memref<256xi32, #tpu.memory_space<hbm>>
      tpu.enqueue_dma source(%dma_start3A_71 : memref<256xi32, #tpu.memory_space<hbm>>) target(%arg5 : memref<256xi32, #tpu.memory_space<vmem>>) target_semaphore(%run_scoped3A : memref<!tpu.dma_semaphore, #tpu.memory_space<semaphore_mem>>)
      %dma_wait3A_72 = tpu.memref_slice %arg2[%add3A_4] : memref<819200xi32, #tpu.memory_space<hbm>> -> memref<256xi32, #tpu.memory_space<hbm>>
      %dma_wait3A_73 = tpu.memref_slice %arg2[%add3A_4] : memref<819200xi32, #tpu.memory_space<hbm>> -> memref<256xi32, #tpu.memory_space<hbm>>
      tpu.wait_dma2 semaphore(%run_scoped3A : memref<!tpu.dma_semaphore, #tpu.memory_space<semaphore_mem>>) src(%dma_wait3A_73 : memref<256xi32, #tpu.memory_space<hbm>>) dst(%arg5 : memref<256xi32, #tpu.memory_space<vmem>>)
      tpu.yield
    }) : () -> ()
    %dma_start3A = arith.constant 0 : i32
    %dma_start3A_5 = arith.constant 0 : i32
    %dma_start3A_6 = arith.constant 0 : i32
    %dma_start3A_7 = tpu.memref_slice %arg3[%dma_start3A_5, %dma_start3A_6] : memref<1000000x128xf32, #tpu.memory_space<hbm>> -> memref<1000000x128xf32, #tpu.memory_space<hbm>>
    %dma_start3A_8 = tpu.memref_slice %arg9[%dma_start3A] : memref<2x!tpu.dma_semaphore, #tpu.memory_space<semaphore_mem>> -> memref<1x!tpu.dma_semaphore, #tpu.memory_space<semaphore_mem>>
    %dma_start3A_9 = tpu.memref_squeeze %dma_start3A_8 : memref<1x!tpu.dma_semaphore, #tpu.memory_space<semaphore_mem>> -> memref<!tpu.dma_semaphore, #tpu.memory_space<semaphore_mem>>
    tpu.enqueue_indirect_dma source(%dma_start3A_7 : memref<1000000x128xf32, #tpu.memory_space<hbm>>) target(%arg7 : memref<256x128xf32, #tpu.memory_space<vmem>>) offsets(%arg5 : memref<256xi32, #tpu.memory_space<vmem>>) semaphore(%dma_start3A_9 : memref<!tpu.dma_semaphore, #tpu.memory_space<semaphore_mem>>)
    %add3A_10 = arith.constant 256 : i32
    %add3A_11 = arith.addi %mul3A_2, %add3A_10 : i32
    "tpu.region"() ({
      %run_scoped3A = tpu.sem_alloc : memref<!tpu.dma_semaphore, #tpu.memory_space<semaphore_mem>>
      %dma_start3A_70 = tpu.memref_slice %arg2[%add3A_11] : memref<819200xi32, #tpu.memory_space<hbm>> -> memref<256xi32, #tpu.memory_space<hbm>>
      %dma_start3A_71 = tpu.memref_slice %arg2[%add3A_11] : memref<819200xi32, #tpu.memory_space<hbm>> -> memref<256xi32, #tpu.memory_space<hbm>>
      tpu.enqueue_dma source(%dma_start3A_71 : memref<256xi32, #tpu.memory_space<hbm>>) target(%arg6 : memref<256xi32, #tpu.memory_space<vmem>>) target_semaphore(%run_scoped3A : memref<!tpu.dma_semaphore, #tpu.memory_space<semaphore_mem>>)
      %dma_wait3A_72 = tpu.memref_slice %arg2[%add3A_11] : memref<819200xi32, #tpu.memory_space<hbm>> -> memref<256xi32, #tpu.memory_space<hbm>>
      %dma_wait3A_73 = tpu.memref_slice %arg2[%add3A_11] : memref<819200xi32, #tpu.memory_space<hbm>> -> memref<256xi32, #tpu.memory_space<hbm>>
      tpu.wait_dma2 semaphore(%run_scoped3A : memref<!tpu.dma_semaphore, #tpu.memory_space<semaphore_mem>>) src(%dma_wait3A_73 : memref<256xi32, #tpu.memory_space<hbm>>) dst(%arg6 : memref<256xi32, #tpu.memory_space<vmem>>)
      tpu.yield
    }) : () -> ()
    %dma_start3A_12 = arith.constant 1 : i32
    %dma_start3A_13 = arith.constant 0 : i32
    %dma_start3A_14 = arith.constant 0 : i32
    %dma_start3A_15 = tpu.memref_slice %arg3[%dma_start3A_13, %dma_start3A_14] : memref<1000000x128xf32, #tpu.memory_space<hbm>> -> memref<1000000x128xf32, #tpu.memory_space<hbm>>
    %dma_start3A_16 = tpu.memref_slice %arg9[%dma_start3A_12] : memref<2x!tpu.dma_semaphore, #tpu.memory_space<semaphore_mem>> -> memref<1x!tpu.dma_semaphore, #tpu.memory_space<semaphore_mem>>
    %dma_start3A_17 = tpu.memref_squeeze %dma_start3A_16 : memref<1x!tpu.dma_semaphore, #tpu.memory_space<semaphore_mem>> -> memref<!tpu.dma_semaphore, #tpu.memory_space<semaphore_mem>>
    tpu.enqueue_indirect_dma source(%dma_start3A_15 : memref<1000000x128xf32, #tpu.memory_space<hbm>>) target(%arg8 : memref<256x128xf32, #tpu.memory_space<vmem>>) offsets(%arg6 : memref<256xi32, #tpu.memory_space<vmem>>) semaphore(%dma_start3A_17 : memref<!tpu.dma_semaphore, #tpu.memory_space<semaphore_mem>>)
    %scan3A = arith.constant 0 : i32
    %scan3A_18 = arith.constant 0 : i32
    %scan3A_19 = arith.constant 49 : i32
    %scan3A_20 = arith.addi %scan3A_18, %scan3A_19 : i32
    %scan3A_21 = arith.constant 1 : i32
    scf.for %scan3A_70 = %scan3A_18 to %scan3A_20 step %scan3A_21  : i32 {
      %mul3A_71 = arith.constant 2 : i32
      %mul3A_72 = arith.muli %scan3A_70, %mul3A_71 : i32
      %add3A_73 = arith.constant 0 : i32
      %add3A_74 = arith.addi %mul3A_72, %add3A_73 : i32
      %dma_wait3A_75 = arith.constant 0 : i32
      %dma_wait3A_76 = arith.constant 0 : i32
      %dma_wait3A_77 = arith.constant 0 : i32
      %dma_wait3A_78 = tpu.memref_slice %arg3[%dma_wait3A_76, %dma_wait3A_77] : memref<1000000x128xf32, #tpu.memory_space<hbm>> -> memref<1000000x128xf32, #tpu.memory_space<hbm>>
      %dma_wait3A_79 = tpu.memref_slice %arg9[%dma_wait3A_75] : memref<2x!tpu.dma_semaphore, #tpu.memory_space<semaphore_mem>> -> memref<1x!tpu.dma_semaphore, #tpu.memory_space<semaphore_mem>>
      %dma_wait3A_80 = tpu.memref_squeeze %dma_wait3A_79 : memref<1x!tpu.dma_semaphore, #tpu.memory_space<semaphore_mem>> -> memref<!tpu.dma_semaphore, #tpu.memory_space<semaphore_mem>>
      tpu.wait_indirect_dma semaphore(%dma_wait3A_80 : memref<!tpu.dma_semaphore, #tpu.memory_space<semaphore_mem>>) src(%dma_wait3A_78 : memref<1000000x128xf32, #tpu.memory_space<hbm>>) dst(%arg7 : memref<256x128xf32, #tpu.memory_space<vmem>>)
      %mul3A_81 = arith.constant 256 : i32
      %mul3A_82 = arith.muli %add3A_74, %mul3A_81 : i32
      %add3A_83 = arith.addi %mul3A_2, %mul3A_82 : i32
      %dma_start3A_84 = arith.constant 0 : i32
      %dma_start3A_85 = arith.constant 0 : i32
      %dma_start3A_86 = tpu.memref_slice %arg4[%add3A_83, %dma_start3A_85] : memref<819200x128xf32, #tpu.memory_space<hbm>> -> memref<256x128xf32, #tpu.memory_space<hbm>>
      %dma_start3A_87 = tpu.memref_slice %arg10[%dma_start3A_84] : memref<2x!tpu.dma_semaphore, #tpu.memory_space<semaphore_mem>> -> memref<1x!tpu.dma_semaphore, #tpu.memory_space<semaphore_mem>>
      %dma_start3A_88 = tpu.memref_squeeze %dma_start3A_87 : memref<1x!tpu.dma_semaphore, #tpu.memory_space<semaphore_mem>> -> memref<!tpu.dma_semaphore, #tpu.memory_space<semaphore_mem>>
      %dma_start3A_89 = arith.constant 0 : i32
      %dma_start3A_90 = tpu.memref_slice %arg4[%add3A_83, %dma_start3A_89] : memref<819200x128xf32, #tpu.memory_space<hbm>> -> memref<256x128xf32, #tpu.memory_space<hbm>>
      tpu.enqueue_dma source(%arg7 : memref<256x128xf32, #tpu.memory_space<vmem>>) target(%dma_start3A_90 : memref<256x128xf32, #tpu.memory_space<hbm>>) target_semaphore(%dma_start3A_88 : memref<!tpu.dma_semaphore, #tpu.memory_space<semaphore_mem>>)
      %add3A_91 = arith.constant 2 : i32
      %add3A_92 = arith.addi %add3A_74, %add3A_91 : i32
      %mul3A_93 = arith.constant 256 : i32
      %mul3A_94 = arith.muli %add3A_92, %mul3A_93 : i32
      %add3A_95 = arith.addi %mul3A_2, %mul3A_94 : i32
      "tpu.region"() ({
        %run_scoped3A = tpu.sem_alloc : memref<!tpu.dma_semaphore, #tpu.memory_space<semaphore_mem>>
        %dma_start3A_153 = tpu.memref_slice %arg2[%add3A_95] : memref<819200xi32, #tpu.memory_space<hbm>> -> memref<256xi32, #tpu.memory_space<hbm>>
        %dma_start3A_154 = tpu.memref_slice %arg2[%add3A_95] : memref<819200xi32, #tpu.memory_space<hbm>> -> memref<256xi32, #tpu.memory_space<hbm>>
        tpu.enqueue_dma source(%dma_start3A_154 : memref<256xi32, #tpu.memory_space<hbm>>) target(%arg5 : memref<256xi32, #tpu.memory_space<vmem>>) target_semaphore(%run_scoped3A : memref<!tpu.dma_semaphore, #tpu.memory_space<semaphore_mem>>)
        %dma_wait3A_155 = tpu.memref_slice %arg2[%add3A_95] : memref<819200xi32, #tpu.memory_space<hbm>> -> memref<256xi32, #tpu.memory_space<hbm>>
        %dma_wait3A_156 = tpu.memref_slice %arg2[%add3A_95] : memref<819200xi32, #tpu.memory_space<hbm>> -> memref<256xi32, #tpu.memory_space<hbm>>
        tpu.wait_dma2 semaphore(%run_scoped3A : memref<!tpu.dma_semaphore, #tpu.memory_space<semaphore_mem>>) src(%dma_wait3A_156 : memref<256xi32, #tpu.memory_space<hbm>>) dst(%arg5 : memref<256xi32, #tpu.memory_space<vmem>>)
        tpu.yield
      }) : () -> ()
      %mul3A_96 = arith.constant 256 : i32
      %mul3A_97 = arith.muli %add3A_74, %mul3A_96 : i32
      %add3A_98 = arith.addi %mul3A_2, %mul3A_97 : i32
      %dma_wait3A_99 = arith.constant 0 : i32
      %dma_wait3A_100 = arith.constant 0 : i32
      %dma_wait3A_101 = tpu.memref_slice %arg4[%add3A_98, %dma_wait3A_100] : memref<819200x128xf32, #tpu.memory_space<hbm>> -> memref<256x128xf32, #tpu.memory_space<hbm>>
      %dma_wait3A_102 = tpu.memref_slice %arg10[%dma_wait3A_99] : memref<2x!tpu.dma_semaphore, #tpu.memory_space<semaphore_mem>> -> memref<1x!tpu.dma_semaphore, #tpu.memory_space<semaphore_mem>>
      %dma_wait3A_103 = tpu.memref_squeeze %dma_wait3A_102 : memref<1x!tpu.dma_semaphore, #tpu.memory_space<semaphore_mem>> -> memref<!tpu.dma_semaphore, #tpu.memory_space<semaphore_mem>>
      %dma_wait3A_104 = arith.constant 0 : i32
      %dma_wait3A_105 = tpu.memref_slice %arg4[%add3A_98, %dma_wait3A_104] : memref<819200x128xf32, #tpu.memory_space<hbm>> -> memref<256x128xf32, #tpu.memory_space<hbm>>
      tpu.wait_dma2 semaphore(%dma_wait3A_103 : memref<!tpu.dma_semaphore, #tpu.memory_space<semaphore_mem>>) src(%arg7 : memref<256x128xf32, #tpu.memory_space<vmem>>) dst(%dma_wait3A_105 : memref<256x128xf32, #tpu.memory_space<hbm>>)
      %dma_start3A_106 = arith.constant 0 : i32
      %dma_start3A_107 = arith.constant 0 : i32
      %dma_start3A_108 = arith.constant 0 : i32
      %dma_start3A_109 = tpu.memref_slice %arg3[%dma_start3A_107, %dma_start3A_108] : memref<1000000x128xf32, #tpu.memory_space<hbm>> -> memref<1000000x128xf32, #tpu.memory_space<hbm>>
      %dma_start3A_110 = tpu.memref_slice %arg9[%dma_start3A_106] : memref<2x!tpu.dma_semaphore, #tpu.memory_space<semaphore_mem>> -> memref<1x!tpu.dma_semaphore, #tpu.memory_space<semaphore_mem>>
      %dma_start3A_111 = tpu.memref_squeeze %dma_start3A_110 : memref<1x!tpu.dma_semaphore, #tpu.memory_space<semaphore_mem>> -> memref<!tpu.dma_semaphore, #tpu.memory_space<semaphore_mem>>
      tpu.enqueue_indirect_dma source(%dma_start3A_109 : memref<1000000x128xf32, #tpu.memory_space<hbm>>) target(%arg7 : memref<256x128xf32, #tpu.memory_space<vmem>>) offsets(%arg5 : memref<256xi32, #tpu.memory_space<vmem>>) semaphore(%dma_start3A_111 : memref<!tpu.dma_semaphore, #tpu.memory_space<semaphore_mem>>)
      %mul3A_112 = arith.constant 2 : i32
      %mul3A_113 = arith.muli %scan3A_70, %mul3A_112 : i32
      %add3A_114 = arith.constant 1 : i32
      %add3A_115 = arith.addi %mul3A_113, %add3A_114 : i32
      %dma_wait3A_116 = arith.constant 1 : i32
      %dma_wait3A_117 = arith.constant 0 : i32
      %dma_wait3A_118 = arith.constant 0 : i32
      %dma_wait3A_119 = tpu.memref_slice %arg3[%dma_wait3A_117, %dma_wait3A_118] : memref<1000000x128xf32, #tpu.memory_space<hbm>> -> memref<1000000x128xf32, #tpu.memory_space<hbm>>
      %dma_wait3A_120 = tpu.memref_slice %arg9[%dma_wait3A_116] : memref<2x!tpu.dma_semaphore, #tpu.memory_space<semaphore_mem>> -> memref<1x!tpu.dma_semaphore, #tpu.memory_space<semaphore_mem>>
      %dma_wait3A_121 = tpu.memref_squeeze %dma_wait3A_120 : memref<1x!tpu.dma_semaphore, #tpu.memory_space<semaphore_mem>> -> memref<!tpu.dma_semaphore, #tpu.memory_space<semaphore_mem>>
      tpu.wait_indirect_dma semaphore(%dma_wait3A_121 : memref<!tpu.dma_semaphore, #tpu.memory_space<semaphore_mem>>) src(%dma_wait3A_119 : memref<1000000x128xf32, #tpu.memory_space<hbm>>) dst(%arg8 : memref<256x128xf32, #tpu.memory_space<vmem>>)
      %mul3A_122 = arith.constant 256 : i32
      %mul3A_123 = arith.muli %add3A_115, %mul3A_122 : i32
      %add3A_124 = arith.addi %mul3A_2, %mul3A_123 : i32
      %dma_start3A_125 = arith.constant 1 : i32
      %dma_start3A_126 = arith.constant 0 : i32
      %dma_start3A_127 = tpu.memref_slice %arg4[%add3A_124, %dma_start3A_126] : memref<819200x128xf32, #tpu.memory_space<hbm>> -> memref<256x128xf32, #tpu.memory_space<hbm>>
      %dma_start3A_128 = tpu.memref_slice %arg10[%dma_start3A_125] : memref<2x!tpu.dma_semaphore, #tpu.memory_space<semaphore_mem>> -> memref<1x!tpu.dma_semaphore, #tpu.memory_space<semaphore_mem>>
      %dma_start3A_129 = tpu.memref_squeeze %dma_start3A_128 : memref<1x!tpu.dma_semaphore, #tpu.memory_space<semaphore_mem>> -> memref<!tpu.dma_semaphore, #tpu.memory_space<semaphore_mem>>
      %dma_start3A_130 = arith.constant 0 : i32
      %dma_start3A_131 = tpu.memref_slice %arg4[%add3A_124, %dma_start3A_130] : memref<819200x128xf32, #tpu.memory_space<hbm>> -> memref<256x128xf32, #tpu.memory_space<hbm>>
      tpu.enqueue_dma source(%arg8 : memref<256x128xf32, #tpu.memory_space<vmem>>) target(%dma_start3A_131 : memref<256x128xf32, #tpu.memory_space<hbm>>) target_semaphore(%dma_start3A_129 : memref<!tpu.dma_semaphore, #tpu.memory_space<semaphore_mem>>)
      %add3A_132 = arith.constant 2 : i32
      %add3A_133 = arith.addi %add3A_115, %add3A_132 : i32
      %mul3A_134 = arith.constant 256 : i32
      %mul3A_135 = arith.muli %add3A_133, %mul3A_134 : i32
      %add3A_136 = arith.addi %mul3A_2, %mul3A_135 : i32
      "tpu.region"() ({
        %run_scoped3A = tpu.sem_alloc : memref<!tpu.dma_semaphore, #tpu.memory_space<semaphore_mem>>
        %dma_start3A_153 = tpu.memref_slice %arg2[%add3A_136] : memref<819200xi32, #tpu.memory_space<hbm>> -> memref<256xi32, #tpu.memory_space<hbm>>
        %dma_start3A_154 = tpu.memref_slice %arg2[%add3A_136] : memref<819200xi32, #tpu.memory_space<hbm>> -> memref<256xi32, #tpu.memory_space<hbm>>
        tpu.enqueue_dma source(%dma_start3A_154 : memref<256xi32, #tpu.memory_space<hbm>>) target(%arg6 : memref<256xi32, #tpu.memory_space<vmem>>) target_semaphore(%run_scoped3A : memref<!tpu.dma_semaphore, #tpu.memory_space<semaphore_mem>>)
        %dma_wait3A_155 = tpu.memref_slice %arg2[%add3A_136] : memref<819200xi32, #tpu.memory_space<hbm>> -> memref<256xi32, #tpu.memory_space<hbm>>
        %dma_wait3A_156 = tpu.memref_slice %arg2[%add3A_136] : memref<819200xi32, #tpu.memory_space<hbm>> -> memref<256xi32, #tpu.memory_space<hbm>>
        tpu.wait_dma2 semaphore(%run_scoped3A : memref<!tpu.dma_semaphore, #tpu.memory_space<semaphore_mem>>) src(%dma_wait3A_156 : memref<256xi32, #tpu.memory_space<hbm>>) dst(%arg6 : memref<256xi32, #tpu.memory_space<vmem>>)
        tpu.yield
      }) : () -> ()
      %mul3A_137 = arith.constant 256 : i32
      %mul3A_138 = arith.muli %add3A_115, %mul3A_137 : i32
      %add3A_139 = arith.addi %mul3A_2, %mul3A_138 : i32
      %dma_wait3A_140 = arith.constant 1 : i32
      %dma_wait3A_141 = arith.constant 0 : i32
      %dma_wait3A_142 = tpu.memref_slice %arg4[%add3A_139, %dma_wait3A_141] : memref<819200x128xf32, #tpu.memory_space<hbm>> -> memref<256x128xf32, #tpu.memory_space<hbm>>
      %dma_wait3A_143 = tpu.memref_slice %arg10[%dma_wait3A_140] : memref<2x!tpu.dma_semaphore, #tpu.memory_space<semaphore_mem>> -> memref<1x!tpu.dma_semaphore, #tpu.memory_space<semaphore_mem>>
      %dma_wait3A_144 = tpu.memref_squeeze %dma_wait3A_143 : memref<1x!tpu.dma_semaphore, #tpu.memory_space<semaphore_mem>> -> memref<!tpu.dma_semaphore, #tpu.memory_space<semaphore_mem>>
      %dma_wait3A_145 = arith.constant 0 : i32
      %dma_wait3A_146 = tpu.memref_slice %arg4[%add3A_139, %dma_wait3A_145] : memref<819200x128xf32, #tpu.memory_space<hbm>> -> memref<256x128xf32, #tpu.memory_space<hbm>>
      tpu.wait_dma2 semaphore(%dma_wait3A_144 : memref<!tpu.dma_semaphore, #tpu.memory_space<semaphore_mem>>) src(%arg8 : memref<256x128xf32, #tpu.memory_space<vmem>>) dst(%dma_wait3A_146 : memref<256x128xf32, #tpu.memory_space<hbm>>)
      %dma_start3A_147 = arith.constant 1 : i32
      %dma_start3A_148 = arith.constant 0 : i32
      %dma_start3A_149 = arith.constant 0 : i32
      %dma_start3A_150 = tpu.memref_slice %arg3[%dma_start3A_148, %dma_start3A_149] : memref<1000000x128xf32, #tpu.memory_space<hbm>> -> memref<1000000x128xf32, #tpu.memory_space<hbm>>
      %dma_start3A_151 = tpu.memref_slice %arg9[%dma_start3A_147] : memref<2x!tpu.dma_semaphore, #tpu.memory_space<semaphore_mem>> -> memref<1x!tpu.dma_semaphore, #tpu.memory_space<semaphore_mem>>
      %dma_start3A_152 = tpu.memref_squeeze %dma_start3A_151 : memref<1x!tpu.dma_semaphore, #tpu.memory_space<semaphore_mem>> -> memref<!tpu.dma_semaphore, #tpu.memory_space<semaphore_mem>>
      tpu.enqueue_indirect_dma source(%dma_start3A_150 : memref<1000000x128xf32, #tpu.memory_space<hbm>>) target(%arg8 : memref<256x128xf32, #tpu.memory_space<vmem>>) offsets(%arg6 : memref<256xi32, #tpu.memory_space<vmem>>) semaphore(%dma_start3A_152 : memref<!tpu.dma_semaphore, #tpu.memory_space<semaphore_mem>>)
    }
    %scan3A_22 = arith.constant 49 : i32
    %dma_wait3A = arith.constant 0 : i32
    %dma_wait3A_23 = arith.constant 0 : i32
    %dma_wait3A_24 = arith.constant 0 : i32
    %dma_wait3A_25 = tpu.memref_slice %arg3[%dma_wait3A_23, %dma_wait3A_24] : memref<1000000x128xf32, #tpu.memory_space<hbm>> -> memref<1000000x128xf32, #tpu.memory_space<hbm>>
    %dma_wait3A_26 = tpu.memref_slice %arg9[%dma_wait3A] : memref<2x!tpu.dma_semaphore, #tpu.memory_space<semaphore_mem>> -> memref<1x!tpu.dma_semaphore, #tpu.memory_space<semaphore_mem>>
    %dma_wait3A_27 = tpu.memref_squeeze %dma_wait3A_26 : memref<1x!tpu.dma_semaphore, #tpu.memory_space<semaphore_mem>> -> memref<!tpu.dma_semaphore, #tpu.memory_space<semaphore_mem>>
    tpu.wait_indirect_dma semaphore(%dma_wait3A_27 : memref<!tpu.dma_semaphore, #tpu.memory_space<semaphore_mem>>) src(%dma_wait3A_25 : memref<1000000x128xf32, #tpu.memory_space<hbm>>) dst(%arg7 : memref<256x128xf32, #tpu.memory_space<vmem>>)
    %add3A_28 = arith.constant 25088 : i32
    %add3A_29 = arith.addi %mul3A_2, %add3A_28 : i32
    %dma_start3A_30 = arith.constant 0 : i32
    %dma_start3A_31 = arith.constant 0 : i32
    %dma_start3A_32 = tpu.memref_slice %arg4[%add3A_29, %dma_start3A_31] : memref<819200x128xf32, #tpu.memory_space<hbm>> -> memref<256x128xf32, #tpu.memory_space<hbm>>
    %dma_start3A_33 = tpu.memref_slice %arg10[%dma_start3A_30] : memref<2x!tpu.dma_semaphore, #tpu.memory_space<semaphore_mem>> -> memref<1x!tpu.dma_semaphore, #tpu.memory_space<semaphore_mem>>
    %dma_start3A_34 = tpu.memref_squeeze %dma_start3A_33 : memref<1x!tpu.dma_semaphore, #tpu.memory_space<semaphore_mem>> -> memref<!tpu.dma_semaphore, #tpu.memory_space<semaphore_mem>>
    %dma_start3A_35 = arith.constant 0 : i32
    %dma_start3A_36 = tpu.memref_slice %arg4[%add3A_29, %dma_start3A_35] : memref<819200x128xf32, #tpu.memory_space<hbm>> -> memref<256x128xf32, #tpu.memory_space<hbm>>
    tpu.enqueue_dma source(%arg7 : memref<256x128xf32, #tpu.memory_space<vmem>>) target(%dma_start3A_36 : memref<256x128xf32, #tpu.memory_space<hbm>>) target_semaphore(%dma_start3A_34 : memref<!tpu.dma_semaphore, #tpu.memory_space<semaphore_mem>>)
    %dma_wait3A_37 = arith.constant 1 : i32
    %dma_wait3A_38 = arith.constant 0 : i32
    %dma_wait3A_39 = arith.constant 0 : i32
    %dma_wait3A_40 = tpu.memref_slice %arg3[%dma_wait3A_38, %dma_wait3A_39] : memref<1000000x128xf32, #tpu.memory_space<hbm>> -> memref<1000000x128xf32, #tpu.memory_space<hbm>>
    %dma_wait3A_41 = tpu.memref_slice %arg9[%dma_wait3A_37] : memref<2x!tpu.dma_semaphore, #tpu.memory_space<semaphore_mem>> -> memref<1x!tpu.dma_semaphore, #tpu.memory_space<semaphore_mem>>
    %dma_wait3A_42 = tpu.memref_squeeze %dma_wait3A_41 : memref<1x!tpu.dma_semaphore, #tpu.memory_space<semaphore_mem>> -> memref<!tpu.dma_semaphore, #tpu.memory_space<semaphore_mem>>
    tpu.wait_indirect_dma semaphore(%dma_wait3A_42 : memref<!tpu.dma_semaphore, #tpu.memory_space<semaphore_mem>>) src(%dma_wait3A_40 : memref<1000000x128xf32, #tpu.memory_space<hbm>>) dst(%arg8 : memref<256x128xf32, #tpu.memory_space<vmem>>)
    %add3A_43 = arith.constant 25344 : i32
    %add3A_44 = arith.addi %mul3A_2, %add3A_43 : i32
    %dma_start3A_45 = arith.constant 1 : i32
    %dma_start3A_46 = arith.constant 0 : i32
    %dma_start3A_47 = tpu.memref_slice %arg4[%add3A_44, %dma_start3A_46] : memref<819200x128xf32, #tpu.memory_space<hbm>> -> memref<256x128xf32, #tpu.memory_space<hbm>>
    %dma_start3A_48 = tpu.memref_slice %arg10[%dma_start3A_45] : memref<2x!tpu.dma_semaphore, #tpu.memory_space<semaphore_mem>> -> memref<1x!tpu.dma_semaphore, #tpu.memory_space<semaphore_mem>>
    %dma_start3A_49 = tpu.memref_squeeze %dma_start3A_48 : memref<1x!tpu.dma_semaphore, #tpu.memory_space<semaphore_mem>> -> memref<!tpu.dma_semaphore, #tpu.memory_space<semaphore_mem>>
    %dma_start3A_50 = arith.constant 0 : i32
    %dma_start3A_51 = tpu.memref_slice %arg4[%add3A_44, %dma_start3A_50] : memref<819200x128xf32, #tpu.memory_space<hbm>> -> memref<256x128xf32, #tpu.memory_space<hbm>>
    tpu.enqueue_dma source(%arg8 : memref<256x128xf32, #tpu.memory_space<vmem>>) target(%dma_start3A_51 : memref<256x128xf32, #tpu.memory_space<hbm>>) target_semaphore(%dma_start3A_49 : memref<!tpu.dma_semaphore, #tpu.memory_space<semaphore_mem>>)
    %add3A_52 = arith.constant 25088 : i32
    %add3A_53 = arith.addi %mul3A_2, %add3A_52 : i32
    %dma_wait3A_54 = arith.constant 0 : i32
    %dma_wait3A_55 = arith.constant 0 : i32
    %dma_wait3A_56 = tpu.memref_slice %arg4[%add3A_53, %dma_wait3A_55] : memref<819200x128xf32, #tpu.memory_space<hbm>> -> memref<256x128xf32, #tpu.memory_space<hbm>>
    %dma_wait3A_57 = tpu.memref_slice %arg10[%dma_wait3A_54] : memref<2x!tpu.dma_semaphore, #tpu.memory_space<semaphore_mem>> -> memref<1x!tpu.dma_semaphore, #tpu.memory_space<semaphore_mem>>
    %dma_wait3A_58 = tpu.memref_squeeze %dma_wait3A_57 : memref<1x!tpu.dma_semaphore, #tpu.memory_space<semaphore_mem>> -> memref<!tpu.dma_semaphore, #tpu.memory_space<semaphore_mem>>
    %dma_wait3A_59 = arith.constant 0 : i32
    %dma_wait3A_60 = tpu.memref_slice %arg4[%add3A_53, %dma_wait3A_59] : memref<819200x128xf32, #tpu.memory_space<hbm>> -> memref<256x128xf32, #tpu.memory_space<hbm>>
    tpu.wait_dma2 semaphore(%dma_wait3A_58 : memref<!tpu.dma_semaphore, #tpu.memory_space<semaphore_mem>>) src(%arg7 : memref<256x128xf32, #tpu.memory_space<vmem>>) dst(%dma_wait3A_60 : memref<256x128xf32, #tpu.memory_space<hbm>>)
    %add3A_61 = arith.constant 25344 : i32
    %add3A_62 = arith.addi %mul3A_2, %add3A_61 : i32
    %dma_wait3A_63 = arith.constant 1 : i32
    %dma_wait3A_64 = arith.constant 0 : i32
    %dma_wait3A_65 = tpu.memref_slice %arg4[%add3A_62, %dma_wait3A_64] : memref<819200x128xf32, #tpu.memory_space<hbm>> -> memref<256x128xf32, #tpu.memory_space<hbm>>
    %dma_wait3A_66 = tpu.memref_slice %arg10[%dma_wait3A_63] : memref<2x!tpu.dma_semaphore, #tpu.memory_space<semaphore_mem>> -> memref<1x!tpu.dma_semaphore, #tpu.memory_space<semaphore_mem>>
    %dma_wait3A_67 = tpu.memref_squeeze %dma_wait3A_66 : memref<1x!tpu.dma_semaphore, #tpu.memory_space<semaphore_mem>> -> memref<!tpu.dma_semaphore, #tpu.memory_space<semaphore_mem>>
    %dma_wait3A_68 = arith.constant 0 : i32
    %dma_wait3A_69 = tpu.memref_slice %arg4[%add3A_62, %dma_wait3A_68] : memref<819200x128xf32, #tpu.memory_space<hbm>> -> memref<256x128xf32, #tpu.memory_space<hbm>>
    tpu.wait_dma2 semaphore(%dma_wait3A_67 : memref<!tpu.dma_semaphore, #tpu.memory_space<semaphore_mem>>) src(%arg8 : memref<256x128xf32, #tpu.memory_space<vmem>>) dst(%dma_wait3A_69 : memref<256x128xf32, #tpu.memory_space<hbm>>)
    return
  }
}

</mosaic_0001>

<sc_bundles>
// kernel: _sc_gather.3.cloned.1.call-start
scs
__scs_entry_jumppad:
0x0: {  	(pc) =	sbr.rel $0x88, $3  }
0x1: {  	(tag) =	ssettag $0x0;
	lr =	simm.s32 $0x1  }
0x2: {  	[smem:$0x3F9F] =	sst lr;
	_ =	strace $0xD0000000  }
0x3: {  	_ = 	snop  }
0x4: {  	_ = 	snop  }
0x5: {  	_ = 	snop  }
0x6: {  	_ = 	snop  }
0x7: {  	_ = 	snop  }
__scs_overlays_trampoline_lowered:
0x8: {  	[smem:$0x3FAE] =	sst s0  }
0x9: {  	[smem:$0x3FAF] =	sst s1  }
0xa: {  	[smem:$0x3FB0] =	sst s2  }
0xb: {  	[smem:$0x3FB1] =	sst s3  }
0xc: {  	[smem:$0x3FB2] =	sst s4  }
0xd: {  	[smem:$0x3FB3] =	sst s5  }
0xe: {  	[smem:$0x3FB4] =	sst s6  }
0xf: {  	[smem:$0x3FB5] =	sst s7  }
0x10: {  	[smem:$0x3FB6] =	sst s8  }
0x11: {  	[smem:$0x3FB7] =	sst s9;
	s0 =	simm.s32 @!p0 $0x0  }
0x12: {  	s1 =	sld [smem:$0x3F9D];
	s0 =	simm.s32 @p0 $0x1  }
0x13: {  	[smem:$0x3FB8] =	sst s0;
	s0 =	simm.s32 @!p1 $0x0  }
0x14: {  	s2 =	sld [smem:$0x3F9C];
	s0 =	simm.s32 @p1 $0x1  }
0x15: {  	[smem:$0x3FB9] =	sst s0;
	s0 =	simm.s32 @!p2 $0x0  }
0x16: {  	s3 =	sld [smem:$0x3FDB];
	s0 =	simm.s32 @p2 $0x1  }
0x17: {  	s4 =	simm.s32 $0x1BF5;
	[smem:$0x3FBB] =	sst s0  }
0x18: {  	s0 =	sld [smem:$0x3F9E];
	_ =	swait.ge [sflag:s4], $0x0  }
0x19: {  	s7 =	sld [smem:$0x3F9F]  }
0x1a: {  	s8 =	sadd.s32 $0xFFFFE003, lr  }
0x1b: {  	s9 =	sadd.s32 $0xFFFFFEF7, lr;
	s5 =	simm.s32 $0xFFFFFFFF;
	p2 =	slt.u32 s8, $0xFFFFF086  }
0x1c: {  	p1 =	slt.u32 s9, $0xF7A;
	s5 =	simm.s32 @!p2 $0x0  }
0x1d: {  	s5 =	simm.s32 @p1 $0x1;
	p0 =	seq.s32 s7, s2  }
0x1e: {  	s7 =	smul.u32 @!p0 $0xF7A, s2;
	p2 =	seq.s32 @!p0 s5, $0x0  }
0x1f: {  	s9 =	smul.u32 $0xF7A, s1;
	s8 =	simm.s32 @!p0 $0x1BF5;
	p2 =	por !p2, p0  }
0x20: {  	[sflag:s8] =	ssyncset.s32 @!p0 $0xFFFFF086;
	s6 =	sadd.s32 @!p0 s3, s7;
	s7 =	simm.s32 @!p0 $0x108  }
0x21: {  	s3 =	sadd.s32 s3, s9;
	s6 =	sadd.s32 @!p0 $0x88, s6;
	s7 =	simm.s32 @p2 $0x1082  }
0x22: {  	[simem:s7], [sflag:s8] =	dma.local @!p0 [hbm:s6], $0xF7A  }
0x23: {  	s9 =	sor.u32 $0xD0000000, s2;
	s6 =	simm.s32 $0x108;
	_ =	swait.ge @!p0 [sflag:s8], $0x0  }
0x24: {  	s3 =	sadd.s32 $0x88, s3;
	s6 =	simm.s32 @!p1 $0x1082;
	[sflag:s4] =	ssyncset.s32 $0xFFFFF086  }
0x25: {  	[simem:s6], [sflag:s4] =	dma.local [hbm:s3], $0xF7A  }
0x26: {  	[smem:$0x3F9F] =	sst s1;
	(tag) =	ssettag s2;
	_ =	strace s9  }
0x27: {  	s1 =	sld [smem:$0x3FAF]  }
0x28: {  	s2 =	sld [smem:$0x3FB0]  }
0x29: {  	s4 =	sld [smem:$0x3FB2]  }
0x2a: {  	p0 =	seq.s32 s5, $0x0;
	s5 =	sld [smem:$0x3FB3]  }
0x2b: {  	s6 =	sld [smem:$0x3FB4]  }
0x2c: {  	s7 =	sld [smem:$0x3FB5]  }
0x2d: {  	s3 =	simm.s32 $0x108;
	s8 =	sld [smem:$0x3FB6]  }
0x2e: {  	s3 =	simm.s32 @!p0 $0x1082;
	s9 =	sld [smem:$0x3FB7]  }
0x2f: {  	lr =	sadd.s32 s0, s3;
	s0 =	sld [smem:$0x3FAE]  }
0x30: {  	s3 =	sld [smem:$0x3FB1]  }
0x31: {  	[smem:$0x3FBA] =	sst s10  }
0x32: {  	s10 =	sld [smem:$0x3FB8];
	_ =	sdelay $0x3  }
0x33: {  	p0 =	seq.s32 s10, $0x1;
	s10 =	sld [smem:$0x3FBA];
	_ =	sdelay $0x3  }
0x34: {  	[smem:$0x3FBA] =	sst s10  }
0x35: {  	s10 =	sld [smem:$0x3FB9];
	_ =	sdelay $0x3  }
0x36: {  	p1 =	seq.s32 s10, $0x1;
	s10 =	sld [smem:$0x3FBA];
	_ =	sdelay $0x3  }
0x37: {  	[smem:$0x3FBA] =	sst s10  }
0x38: {  	s10 =	sld [smem:$0x3FBB]  }
0x39: {  	_ = 	snop;
	(pc) =	sbr.ind lr, $3  }
0x3a: {  	_ = 	snop  }
0x3b: {  	_ = 	snop  }
0x3c: {  	p2 =	seq.s32 s10, $0x1;
	s10 =	sld [smem:$0x3FBA]  }
0x3d: {  	_ =	shalt  }
0x3e: {  	_ =	shalt  }
0x3f: {  	_ =	shalt  }
0x40: {  	_ =	shalt  }
0x41: {  	_ =	shalt  }
0x42: {  	_ =	shalt  }
0x43: {  	_ =	shalt  }
0x44: {  	_ =	shalt  }
0x45: {  	_ =	shalt  }
0x46: {  	_ =	shalt  }
0x47: {  	_ =	shalt  }
0x48: {  	_ =	shalt  }
0x49: {  	_ =	shalt  }
0x4a: {  	_ =	shalt  }
0x4b: {  	_ =	shalt  }
0x4c: {  	_ =	shalt  }
0x4d: {  	_ =	shalt  }
0x4e: {  	_ =	shalt  }
0x4f: {  	_ =	shalt  }
0x50: {  	_ =	shalt  }
0x51: {  	_ =	shalt  }
0x52: {  	_ =	shalt  }
0x53: {  	_ =	shalt  }
0x54: {  	_ =	shalt  }
0x55: {  	_ =	shalt  }
0x56: {  	_ =	shalt  }
0x57: {  	_ =	shalt  }
0x58: {  	_ =	shalt  }
0x59: {  	_ =	shalt  }
0x5a: {  	_ =	shalt  }
0x5b: {  	_ =	shalt  }
0x5c: {  	_ =	shalt  }
0x5d: {  	_ =	shalt  }
0x5e: {  	_ =	shalt  }
0x5f: {  	_ =	shalt  }
0x60: {  	_ =	shalt  }
0x61: {  	_ =	shalt  }
0x62: {  	_ =	shalt  }
0x63: {  	_ =	shalt  }
0x64: {  	_ =	shalt  }
0x65: {  	_ =	shalt  }
0x66: {  	_ =	shalt  }
0x67: {  	_ =	shalt  }
0x68: {  	_ =	shalt  }
0x69: {  	_ =	shalt  }
0x6a: {  	_ =	shalt  }
0x6b: {  	_ =	shalt  }
0x6c: {  	_ =	shalt  }
0x6d: {  	_ =	shalt  }
0x6e: {  	_ =	shalt  }
0x6f: {  	_ =	shalt  }
0x70: {  	_ =	shalt  }
0x71: {  	_ =	shalt  }
0x72: {  	_ =	shalt  }
0x73: {  	_ =	shalt  }
0x74: {  	_ =	shalt  }
0x75: {  	_ =	shalt  }
0x76: {  	_ =	shalt  }
0x77: {  	_ =	shalt  }
0x78: {  	_ =	shalt  }
0x79: {  	_ =	shalt  }
0x7a: {  	_ =	shalt  }
0x7b: {  	_ =	shalt  }
0x7c: {  	_ =	shalt  }
0x7d: {  	_ =	shalt  }
0x7e: {  	_ =	shalt  }
0x7f: {  	_ =	shalt  }
0x80: {  	_ =	shalt  }
0x81: {  	_ =	shalt  }
0x82: {  	_ =	shalt  }
0x83: {  	_ =	shalt  }
0x84: {  	_ =	shalt  }
0x85: {  	_ =	shalt  }
0x86: {  	_ =	shalt  }
0x87: {  	_ =	shalt  }
.Lfunc_end0:
.L_simem_size_0:
called_computation_lowered:
.L_overlay_start_0:
0x88: {  	s2 =	sld [smem:$0x3FD9]  }
0x89: {  	s3 =	sld [smem:$0x3FFE];
	_ =	sdelay $0x1  }
0x8a: {  	s1 =	srdreg.scid  }
0x8b: {  	s0 =	sand.u32 $0x1, s1  }
0x8c: {  	s18 =	sshll.u32 s0, $0xA;
	s2 =	sadd.s32 s3, s2  }
0x8d: {  	s2 =	sadd.s32 s2, s18  }
0x8e: {  	[smem:$0x3FC6] =	sst s2  }
0x8f: {  	_ = 	snop  }
0x90: {  	s2 =	sld [smem:$0x3FC9]  }
0x91: {  	s19 =	sld [smem:$0x3FC8]  }
0x92: {  	s4 =	sld [smem:$0x3FD0];
	(tm) =	ssettm $0x1  }
0x93: {  	s5 =	sld [smem:$0x3FFB];
	_ =	sdelay $0x3  }
0x94: {  	_ =	strace s5  }
0x95: {  	s5 =	sld [smem:$0x3FFC];
	_ =	sdelay $0x3  }
0x96: {  	_ =	strace s5  }
0x97: {  	s5 =	sld [smem:$0x3FFD];
	_ =	sdelay $0x3  }
0x98: {  	_ =	strace s5  }
0x99: {  	_ =	strace $0x8FFFFFFF  }
0x9a: {  	s20 =	sld [smem:$0x3FDB];
	_ =	sdelay $0x1  }
0x9b: {  	s6 =	simm.s32 $_scs_section_size  }
0x9c: {  	s7 =	simm.s32 $_size__tile_overlayer_lowered;
	s8 =	simm.s32 $_tile_overlayer_lowered  }
0x9d: {  	s23 =	simm.s32 $0x1BFF;
	s22 =	sshll.u32 s8, $0x1;
	s5 =	sadd.s32 s6, s20  }
0x9e: {  	s9 =	simm.s32 $0x0;
	s21 =	sshll.u32 s7, $0x1;
	s7 =	sadd.s32 s22, s5  }
0x9f: {  	[timem:s9], [sflag:s23] =	dma.local [hbm:s7], s21  }
0xa0: {  	_ =	swait.ge [sflag:s23], s21  }
0xa1: {  	s6 =	ssub.s32 $0x0, s21;
	[sflag:s23] =	ssyncset.done $0x0  }
0xa2: {  	[sflag:s23] =	ssyncadd.s32 s6;
	_ =	sdelay $0x1  }
0xa3: {  	s24 =	simm.s32 $0x1B8B  }
0xa4: {  	_ =	swait.ge [sflag:s24], $0x1  }
0xa5: {  	[sflag:s24] =	ssyncset.done $0x0  }
0xa6: {  	s25 =	simm.s32 $0x1B8E;
	[sflag:s24] =	ssyncadd.s32 $0xFFFFFFFF  }
0xa7: {  	s26 =	simm.s32 $execute0_lowered;
	[smem:$0x3FD2] =	sst s25  }
0xa8: {  	s6 =	sshll.u32 s26, $0x1;
	_ =	strace $0x80000046;
	[dreg:$0x1] =	wrdreg $0xFFFFFFFF  }
0xa9: {  	s28 =	simm.s32 $_size_execute0_lowered;
	s5 =	sadd.s32 s5, s6;
	[dreg:$0x0] =	wrdreg $0x0  }
0xaa: {  	s6 =	sshll.u32 s28, $0x1;
	[dreg:$0x2] =	wrdreg s5  }
0xab: {  	[dreg:$0x3] =	wrdreg s6  }
0xac: {  	[dreg:$0x4] =	wrdreg $0xC0  }
0xad: {  	_ =	task [dreg:s9], $0x5FFFF  }
0xae: {  	[dreg:$0x1] =	wrdreg $0xFFFFFFFF  }
0xaf: {  	[dreg:$0x0] =	wrdreg $0x60  }
0xb0: {  	[dreg:$0x2] =	wrdreg s2  }
0xb1: {  	[dreg:$0x3] =	wrdreg s19  }
0xb2: {  	[dreg:$0x4] =	wrdreg s4  }
0xb3: {  	[dreg:$0x5] =	wrdreg $0x9  }
0xb4: {  	_ =	task.clear_ibuf [dreg:s9], $0x6FFFF;
	_ =	strace $0x90000046  }
0xb5: {  	s29 =	simm.s32 $0x9;
	_ =	strace $0x80000048  }
0xb6: {  	_ =	swait.ge [sflag:s29], $0x1  }
0xb7: {  	[sflag:s29] =	ssyncadd.s32 $0xFFFFFFFF  }
0xb8: {  	_ =	strace $0x90000048  }
0xb9: {  	_ =	sfence  }
0xba: {  	s30 =	sld [smem:$0x0];
	_ =	sdelay $0x2  }
0xbb: {  	s31 =	sshll.u32 s1, $0xD;
	s1 =	sshrl.u32 s1, $0x2  }
0xbc: {  	s3 =	sand.u32 $0x4000, s31;
	s1 =	sadd.s32 s1, s30  }
0xbd: {  	s0 =	sor.u32 s3, s0;
	s1 =	sshll.u32 s1, $0x11  }
0xbe: {  	s0 =	sor.u32 s1, s0  }
0xbf: {  	s0 =	sadd.s32 $0x8F2B, s0  }
0xc0: {  	[sflag:s0] =	ssyncadd.remote.s32 $0x1  }
0xc1: {  	_ =	sfence.sel $0xFFFF  }
0xc2: {  	[dreg:$0x0] =	wrdreg $0xFFFFFFFF;
	(pc) =	sbr.abs _section_cstart, $3  }
0xc3: {  	[dreg:$0x1] =	wrdreg $0xFFFFFFFF  }
0xc4: {  	_ =	task.clear_ibuf [dreg:s9], $0x2FFFF;
	_ =	strace $0x9FFFFFFF  }
0xc5: {  	(tm) =	ssettm $0x7FFFFFFF  }
tec
execute0_lowered:
.L_overlay_start_1:
0x0: {  	(tag) =	ssettag $0x1  }
0x1: {  	s12 =	rddreg [dreg:$0x0]  }
0x2: {  	s2 =	rddreg [dreg:$0x1];
	s1 =	srdreg.scid  }
0x3: {  	s0 =	stileid.u32;
	s10 =	rddreg [dreg:$0x2];
	s3 =	simm.s32 $0x0  }
0x4: {  	s16 =	simm.s32 $0x8200;
	s17 =	simm.s32 $0x1;
	s18 =	simm.s32 $0x3  }
0x5: {  	s19 =	simm.s32 $0x2;
	s20 =	simm.s32 $0x4;
	s9 =	smul.u32 $0x640000, s0  }
0x6: {  	s21 =	simm.s32 $0x0;
	s6 =	sand.u32 $0x1, s1;
	s13 =	smul.u32 $0xC800, s0  }
0x7: {  	s4 =	sshll.u32 s0, $0x1;
	s1 =	rddreg [dreg:$0x3];
	s30 =	smul.u32 $0x320000, s6  }
0x8: {  	s4 =	sor.u32 s6, s4;
	s7 =	ssub.s32 $0x2, s6;
	s14 =	smul.u32 $0x6400, s6  }
0x9: {  	[smem:$0x7FF] =	sst s3;
	s5 =	smul.u32 $0x6400, s4;
	s29 =	sshrl.u32 s7, $0x1  }
0xa: {  	_ =	strace $0x80000047;
	s8 =	smul.u32 $0x320000, s4;
	s11 =	ssub.s32 s7, s29  }
0xb: {  	s9 =	sadd.s32 s30, s9;
	s31 =	sadd.s32 s14, s13;
	s5 =	sshrl.u32 s5, $0x3  }
0xc: {  	s8 =	sshrl.u32 s8, $0x3;
	s9 =	sshrl.u32 s9, $0x3;
	s13 =	sor.u32 $0x300, s31  }
0xd: {  	s14 =	sshll.u32 s31, $0x4;
	s4 =	sadd.s32 s12, s5;
	s8 =	sadd.s32 s10, s8  }
0xe: {  	s9 =	sadd.s32 s9, s10;
	s13 =	sshrl.u32 s13, $0x3;
	s14 =	sadd.s32 s14, s10  }
0xf: {  	s5 =	sadd.s32 $0x20, s4;
	s6 =	sadd.s32 $0x62000, s8;
	s7 =	sadd.s32 $0x63000, s8  }
0x10: {  	s8 =	smax.u32 s11, $0x1;
	s11 =	sor.u32 $0x200, s31;
	s10 =	sadd.s32 s13, s12  }
0x11: {  	s13 =	simm.s32 $0x5;
	s15 =	sshrl.u32 s11, $0x3;
	s11 =	sadd.s32 $0x1000, s14  }
0x12: {  	s14 =	simm.s32 $0x100;
	s12 =	sadd.s32 s15, s12;
	s15 =	simm.s32 $0x200  }
.LBB2_1:
0x13: {  	[tilespmem:s3], [sflag:$0x5] =	stream.linear.gather [hbm4b:s4+s3], $0x100, $0x38;
	[tilespmem:$0x10200] =	vst v63  }
0x14: {  	_ =	swait.ge [sflag:s13], $0x100  }
0x15: {  	[sflag:s13] =	ssyncset.done $0x0  }
0x16: {  	[sflag:s13] =	ssyncadd.s32 $0xFFFFFF00  }
0x17: {  	[tilespmem:s15], [sflag:$0x1] =	stream.indirect.gather [hbm4b:s2+s14], $0x80, s3, s14, $0xb8;
	[tilespmem:$0x10200] =	vst v63  }
0x18: {  	_ = 	snop  }
0x19: {  	[tilespmem:s14], [sflag:$0x5] =	stream.linear.gather [hbm4b:s5+s3], $0x100, $0x38;
	[tilespmem:$0x10200] =	vst v63  }
0x1a: {  	_ =	swait.ge [sflag:s13], $0x100  }
0x1b: {  	[sflag:s13] =	ssyncset.done $0x0  }
0x1c: {  	[sflag:s13] =	ssyncadd.s32 $0xFFFFFF00  }
0x1d: {  	[tilespmem:s16], [sflag:$0x2] =	stream.indirect.gather [hbm4b:s2+s14], $0x80, s14, s14, $0xb8;
	[tilespmem:$0x10200] =	vst v63  }
0x1e: {  	_ =	swait.ge [sflag:s17], $0x8000  }
0x1f: {  	[sflag:s17] =	ssyncset.done $0x0  }
0x20: {  	[sflag:s17] =	ssyncadd.s32 $0xFFFF8000  }
0x21: {  	[hbm4b:s9+s3] =	stream.linear.scatter [tilespmem:s15], [sflag:$0x3], $0x8000, $0x38;
	[tilespmem:$0x10200] =	vst v63  }
0x22: {  	s22 =	sadd.s32 $0x0, s12  }
0x23: {  	[tilespmem:s3], [sflag:$0x5] =	stream.linear.gather [hbm4b:s22+s3], $0x100, $0x38;
	[tilespmem:$0x10200] =	vst v63  }
0x24: {  	_ =	swait.ge [sflag:s13], $0x100  }
0x25: {  	[sflag:s13] =	ssyncset.done $0x0  }
0x26: {  	[sflag:s13] =	ssyncadd.s32 $0xFFFFFF00  }
0x27: {  	_ =	swait.ge [sflag:s18], $0x8000  }
0x28: {  	[sflag:s18] =	ssyncset.done $0x0  }
0x29: {  	[sflag:s18] =	ssyncadd.s32 $0xFFFF8000  }
0x2a: {  	[tilespmem:s15], [sflag:$0x1] =	stream.indirect.gather [hbm4b:s2+s14], $0x80, s3, s14, $0xb8;
	[tilespmem:$0x10200] =	vst v63  }
0x2b: {  	_ =	swait.ge [sflag:s19], $0x8000  }
0x2c: {  	[sflag:s19] =	ssyncset.done $0x0  }
0x2d: {  	[sflag:s19] =	ssyncadd.s32 $0xFFFF8000  }
0x2e: {  	[hbm4b:s11+s3] =	stream.linear.scatter [tilespmem:s16], [sflag:$0x4], $0x8000, $0x38;
	[tilespmem:$0x10200] =	vst v63  }
0x2f: {  	s31 =	sadd.s32 $0x0, s10  }
0x30: {  	[tilespmem:s14], [sflag:$0x5] =	stream.linear.gather [hbm4b:s31+s3], $0x100, $0x38;
	[tilespmem:$0x10200] =	vst v63  }
0x31: {  	_ =	swait.ge [sflag:s13], $0x100  }
0x32: {  	[sflag:s13] =	ssyncset.done $0x0  }
0x33: {  	[sflag:s13] =	ssyncadd.s32 $0xFFFFFF00  }
0x34: {  	_ =	swait.ge [sflag:s20], $0x8000  }
0x35: {  	s23 =	sadd.s32 $0x2000, s9;
	[sflag:s20] =	ssyncset.done $0x0  }
0x36: {  	s24 =	sadd.s32 $0x2000, s11;
	s22 =	simm.s32 $0x40;
	[sflag:s20] =	ssyncadd.s32 $0xFFFF8000  }
.LBB2_2:
0x37: {  	[tilespmem:s16], [sflag:$0x2] =	stream.indirect.gather [hbm4b:s2+s14], $0x80, s14, s14, $0xb8;
	[tilespmem:$0x10200] =	vst v63  }
0x38: {  	s25 =	smov.u32 s22  }
0x39: {  	p0 =	sne.s32 s22, $0xC00;
	s22 =	sadd.s32 $0x40, s22;
	_ =	swait.ge [sflag:s17], $0x8000  }
0x3a: {  	[sflag:s17] =	ssyncset.done $0x0  }
0x3b: {  	[sflag:s17] =	ssyncadd.s32 $0xFFFF8000  }
0x3c: {  	[hbm4b:s23+s3] =	stream.linear.scatter [tilespmem:s15], [sflag:$0x3], $0x8000, $0x38;
	[tilespmem:$0x10200] =	vst v63  }
0x3d: {  	s26 =	sadd.s32 s25, s12  }
0x3e: {  	[tilespmem:s3], [sflag:$0x5] =	stream.linear.gather [hbm4b:s26+s3], $0x100, $0x38;
	[tilespmem:$0x10200] =	vst v63  }
0x3f: {  	_ =	swait.ge [sflag:s13], $0x100  }
0x40: {  	[sflag:s13] =	ssyncset.done $0x0  }
0x41: {  	[sflag:s13] =	ssyncadd.s32 $0xFFFFFF00  }
0x42: {  	_ =	swait.ge [sflag:s18], $0x8000  }
0x43: {  	[sflag:s18] =	ssyncset.done $0x0  }
0x44: {  	[sflag:s18] =	ssyncadd.s32 $0xFFFF8000  }
0x45: {  	[tilespmem:s15], [sflag:$0x1] =	stream.indirect.gather [hbm4b:s2+s14], $0x80, s3, s14, $0xb8;
	[tilespmem:$0x10200] =	vst v63  }
0x46: {  	_ =	swait.ge [sflag:s19], $0x8000  }
0x47: {  	[sflag:s19] =	ssyncset.done $0x0  }
0x48: {  	[sflag:s19] =	ssyncadd.s32 $0xFFFF8000  }
0x49: {  	[hbm4b:s24+s3] =	stream.linear.scatter [tilespmem:s16], [sflag:$0x4], $0x8000, $0x38;
	[tilespmem:$0x10200] =	vst v63  }
0x4a: {  	s25 =	sadd.s32 s25, s10  }
0x4b: {  	[tilespmem:s14], [sflag:$0x5] =	stream.linear.gather [hbm4b:s25+s3], $0x100, $0x38;
	[tilespmem:$0x10200] =	vst v63  }
0x4c: {  	_ =	swait.ge [sflag:s13], $0x100  }
.Ltmp0:
0x4d: {  	[sflag:s13] =	ssyncset.done $0x0;
	(pc) =	sbr.rel @p0 .LBB2_2-.Ltmp0, $4  }
0x4e: {  	[sflag:s13] =	ssyncadd.s32 $0xFFFFFF00  }
0x4f: {  	_ =	swait.ge [sflag:s20], $0x8000  }
0x50: {  	[sflag:s20] =	ssyncset.done $0x0  }
0x51: {  	s23 =	sadd.s32 $0x2000, s23;
	s24 =	sadd.s32 $0x2000, s24;
	[sflag:s20] =	ssyncadd.s32 $0xFFFF8000  }
0x52: {  	[tilespmem:s16], [sflag:$0x2] =	stream.indirect.gather [hbm4b:s2+s14], $0x80, s14, s14, $0xb8;
	[tilespmem:$0x10200] =	vst v63  }
0x53: {  	_ =	swait.ge [sflag:s17], $0x8000  }
0x54: {  	[sflag:s17] =	ssyncset.done $0x0  }
0x55: {  	[sflag:s17] =	ssyncadd.s32 $0xFFFF8000  }
0x56: {  	[hbm4b:s6+s3] =	stream.linear.scatter [tilespmem:s15], [sflag:$0x3], $0x8000, $0x38;
	[tilespmem:$0x10200] =	vst v63  }
0x57: {  	_ =	swait.ge [sflag:s19], $0x8000  }
0x58: {  	[sflag:s19] =	ssyncset.done $0x0  }
0x59: {  	s21 =	sadd.s32 $0x1, s21;
	[sflag:s19] =	ssyncadd.s32 $0xFFFF8000  }
0x5a: {  	[hbm4b:s7+s3] =	stream.linear.scatter [tilespmem:s16], [sflag:$0x4], $0x8000, $0x38;
	[tilespmem:$0x10200] =	vst v63  }
0x5b: {  	p0 =	sne.s32 s21, s8;
	_ =	swait.ge [sflag:s18], $0x8000  }
.Ltmp1:
0x5c: {  	[sflag:s18] =	ssyncset.done $0x0;
	(pc) =	sbr.rel @p0 .LBB2_1-.Ltmp1, $4  }
0x5d: {  	[sflag:s18] =	ssyncadd.s32 $0xFFFF8000  }
0x5e: {  	_ =	swait.ge [sflag:s20], $0x8000  }
0x5f: {  	[sflag:s20] =	ssyncset.done $0x0  }
0x60: {  	[sflag:s20] =	ssyncadd.s32 $0xFFFF8000  }
0x61: {  	_ =	sfence.sel $0x180000  }
0x62: {  	[bflag:$0x0] =	sbarrier.arrive $0xFFFF  }
0x63: {  	p0 =	sne.s32 s0, $0x0;
	_ =	strace $0x90000047  }
0x64: {  	s0 =	sadd.s32 @!p0 $0x100000, s1;
	[bflag:$0x2] =	sbarrier.arrive $0xFFFF  }
0x65: {  	[sflag:s0] =	ssyncadd.tile.s32 @!p0 $0x1;
	_ =	shalt  }
.Lfunc_end2:
_tile_overlayer_lowered:
.L_overlay_start_2:
0x66: {  	(tag) =	ssettag $0x2  }
0x67: {  	s0 =	rddreg [dreg:$0x0];
	s2 =	stileid.u32  }
0x68: {  	s1 =	rddreg [dreg:$0x1];
	p0 =	sne.s32 s2, $0x0  }
0x69: {  	s3 =	rddreg [dreg:$0x2];
	[bflag:$0x3] =	sbarrier.arrive $0xFFFF;
	s2 =	simm.s32 @!p0 $0x1C05  }
0x6a: {  	[timem:s3], [sflag:s2] =	dma.local @!p0 [hbm:s0], s1  }
0x6b: {  	s0 =	simm.s32 @!p0 $0x5  }
0x6c: {  	_ =	swait.ge @!p0 [sflag:s0], s1  }
0x6d: {  	s1 =	ssub.s32 @!p0 $0x0, s1;
	[sflag:s0] =	ssyncset.done @!p0 $0x0  }
0x6e: {  	[sflag:s0] =	ssyncadd.s32 @!p0 s1  }
0x6f: {  	[bflag:$0x3] =	sbarrier.arrive $0xFFFF  }
0x70: {  	_ =	shalt  }

</sc_bundles>
